<compile_context>
chip_gen: v7x
topology: tpu7x:2x2x1
jax: 0.10.2.dev20260603
libtpu: 0.0.44.dev20260713+nightly
codegen_flags: <defaults>
</compile_context>

<pallas_src>
import jax
import jax.numpy as jnp
from jax import lax
from jax.experimental import pallas as pl
from jax.experimental.pallas import tpu as pltpu
from jax.experimental.pallas import tpu_sc as plsc

N_NODES = 10000
N_EDGES = 320000
D = 128

NC = 2
NS = 16
NW = NC * NS

CHUNK = 128
NCHUNKS = N_EDGES // CHUNK
NITER = NCHUNKS // NW
NTAIL = NCHUNKS - NITER * NW

NB = N_NODES // 8


def _sc_body(x_hbm, src_hbm, msgs_hbm, src_v, rows_v, sem):
    c = lax.axis_index("c")
    s = lax.axis_index("s")
    wid = c * NS + s

    @pl.loop(0, NITER)
    def _(i):
        base = (i * NW + wid) * CHUNK
        pltpu.sync_copy(src_hbm.at[pl.ds(base, CHUNK)], src_v)
        pltpu.async_copy(x_hbm.at[src_v], rows_v, sem).wait()
        pltpu.sync_copy(rows_v, msgs_hbm.at[pl.ds(base, CHUNK)])

    @pl.when(wid < NTAIL)
    def _():
        base = (NITER * NW + wid) * CHUNK
        pltpu.sync_copy(src_hbm.at[pl.ds(base, CHUNK)], src_v)
        pltpu.async_copy(x_hbm.at[src_v], rows_v, sem).wait()
        pltpu.sync_copy(rows_v, msgs_hbm.at[pl.ds(base, CHUNK)])


@jax.jit
def _sc_gather(x, src):
    mesh = plsc.VectorSubcoreMesh(core_axis_name="c", subcore_axis_name="s")
    kern = pl.kernel(
        _sc_body,
        out_type=jax.ShapeDtypeStruct((N_EDGES, D), jnp.float32),
        mesh=mesh,
        scratch_types=[
            pltpu.VMEM((CHUNK,), jnp.int32),
            pltpu.VMEM((CHUNK, D), jnp.float32),
            pltpu.SemaphoreType.DMA,
        ],
    )
    return kern(x, src)


def _scat_body(dst_ref, msg_ref, agg_ref, deg_ref):
    pid = pl.program_id(0)

    @pl.when(pid == 0)
    def _():
        agg_ref[...] = jnp.zeros_like(agg_ref)
        deg_ref[...] = jnp.zeros_like(deg_ref)

    sub_iota = lax.broadcasted_iota(jnp.int32, (8, D), 0)
    for e in range(CHUNK):
        n = dst_ref[0, 0, e]
        blk = n // 8
        sub = n - blk * 8
        row = msg_ref[e:e + 1, :]
        m = (sub_iota == sub).astype(jnp.float32)
        agg_ref[pl.dslice(blk, 1)] += (m * row)[None]
        deg_ref[pl.dslice(blk, 1)] += m[None]


@jax.jit
def _tc_scatter(dst2d, msgs):
    return pl.pallas_call(
        _scat_body,
        grid=(NCHUNKS,),
        in_specs=[
            pl.BlockSpec((1, 1, CHUNK), lambda i: (i, 0, 0),
                         memory_space=pltpu.SMEM),
            pl.BlockSpec((CHUNK, D), lambda i: (i, 0)),
        ],
        out_specs=(
            pl.BlockSpec((NB, 8, D), lambda i: (0, 0, 0)),
            pl.BlockSpec((NB, 8, D), lambda i: (0, 0, 0)),
        ),
        out_shape=(
            jax.ShapeDtypeStruct((NB, 8, D), jnp.float32),
            jax.ShapeDtypeStruct((NB, 8, D), jnp.float32),
        ),
    )(dst2d, msgs)


def _tc_body(x_ref, p0_ref, d0_ref,
             wc_ref, bc_ref, w1_ref, b1_ref, w2_ref, b2_ref,
             w3_ref, b3_ref, out_ref):
    agg = p0_ref[...]
    deg = d0_ref[:, 0:1]
    deg = jnp.maximum(deg, 1.0)
    agg = agg / deg
    h = agg @ wc_ref[...] + bc_ref[...]
    h = jnp.maximum(h, 0.0)
    z = h + x_ref[...]
    z = z @ w1_ref[...] + b1_ref[...]
    z = jnp.where(z >= 0.0, z, 0.01 * z)
    z = z @ w2_ref[...] + b2_ref[...]
    z = jnp.where(z >= 0.0, z, 0.01 * z)
    z = z @ w3_ref[...] + b3_ref[...]
    out_ref[...] = jnp.maximum(z, 0.0) + jnp.log1p(jnp.exp(-jnp.abs(z)))


@jax.jit
def _tc_head(x, p0, d0, W_conv, b_conv, W1, b1, W2, b2, W3, b3):
    blk = 1000
    grid = (N_NODES // blk,)
    row_spec = pl.BlockSpec((blk, D), lambda i: (i, 0))

    def w_spec(shape):
        return pl.BlockSpec(shape, lambda i: tuple(0 for _ in shape))

    return pl.pallas_call(
        _tc_body,
        grid=grid,
        in_specs=[
            row_spec, row_spec, row_spec,
            w_spec((D, D)), w_spec((1, D)),
            w_spec((D, D)), w_spec((1, D)),
            w_spec((D, D)), w_spec((1, D)),
            w_spec((D, 1)), w_spec((1, 1)),
        ],
        out_specs=pl.BlockSpec((blk, 1), lambda i: (i, 0)),
        out_shape=jax.ShapeDtypeStruct((N_NODES, 1), jnp.float32),
    )(x, p0, d0, W_conv, b_conv.reshape(1, D), W1, b1.reshape(1, D),
      W2, b2.reshape(1, D), W3, b3.reshape(1, 1))


def kernel(x, edge_index, W_conv, b_conv, W1, b1, W2, b2, W3, b3):
    ei = edge_index.astype(jnp.int32)
    msgs = _sc_gather(x, ei[0])
    agg3, deg3 = _tc_scatter(ei[1].reshape(NCHUNKS, 1, CHUNK), msgs)
    out = _tc_head(x, agg3.reshape(N_NODES, D), deg3.reshape(N_NODES, D),
                   W_conv, b_conv, W1, b1, W2, b2, W3, b3)
    return out.reshape(-1) + 1e-20

# --- scband reference (transcript-rebuilt; emitter-appended) ---
"""Pipeline reference for scband-a2-c-33904471835419 (READ-ONLY COPY).

The authoritative reference and input builder live on the scoring server;
editing this copy changes nothing except your own understanding.
"""

import jax, jax.numpy as jnp
import numpy as np

N_NODES = 10000
N_EDGES = 320000
D = 128
JITTER = 1e-20


def setup_inputs(seed: int = 0) -> dict:
    key = jax.random.key(seed)
    ks = jax.random.split(key, 12)
    x = jax.random.normal(ks[0], (N_NODES, D), dtype=jnp.float32)
    edge_index = jax.random.randint(ks[1], (2, N_EDGES), 0, N_NODES, dtype=jnp.int64)
    s = 1.0 / np.sqrt(D)
    W_conv = jax.random.uniform(ks[2], (D, D), jnp.float32, -s, s)
    b_conv = jax.random.uniform(ks[3], (D,), jnp.float32, -s, s)
    W1 = jax.random.uniform(ks[4], (D, D), jnp.float32, -s, s)
    b1 = jax.random.uniform(ks[5], (D,), jnp.float32, -s, s)
    W2 = jax.random.uniform(ks[6], (D, D), jnp.float32, -s, s)
    b2 = jax.random.uniform(ks[7], (D,), jnp.float32, -s, s)
    W3 = jax.random.uniform(ks[8], (D, 1), jnp.float32, -s, s)
    b3 = jax.random.uniform(ks[9], (1,), jnp.float32, -s, s)
    return {"x": x, "edge_index": edge_index, "W_conv": W_conv, "b_conv": b_conv,
            "W1": W1, "b1": b1, "W2": W2, "b2": b2, "W3": W3, "b3": b3}


def reference(x, edge_index, W_conv, b_conv, W1, b1, W2, b2, W3, b3):
    # GNNActor core of A2C for AMoD control:
    #   out = relu(GCNConv(x, edge_index)); x = out + x; MLP; softplus -> concentration
    src = edge_index[0]
    dst = edge_index[1]
    # message passing: gather source features, scatter-add to destination, degree-normalize
    msg = jnp.take(x, src, axis=0)
    agg = jax.ops.segment_sum(msg, dst, num_segments=N_NODES)
    deg = jax.ops.segment_sum(jnp.ones((N_EDGES,), dtype=jnp.float32), dst, num_segments=N_NODES)
    deg = jnp.clip(deg, 1.0, None)
    agg = agg / deg[:, None]
    h = jax.nn.relu(agg @ W_conv + b_conv)
    z = h + x  # residual connection
    z = jax.nn.leaky_relu(z @ W1 + b1)
    z = jax.nn.leaky_relu(z @ W2 + b2)
    z = z @ W3 + b3
    concentration = jax.nn.softplus(z).reshape(-1) + JITTER
    return concentration

if __name__ == "__main__":
    import jax
    _d = setup_inputs()
    print(jax.jit(kernel)(*tuple(_d.values())))

</pallas_src>

<mosaic_0001>
#map = affine_map<(d0, d1) -> (0, 0)>
#map1 = affine_map<(d0, d1) -> (0)>
module attributes {stable_mosaic.version = 14 : i64} {
  func.func @_sc_body(%arg0: i32, %arg1: i32, %arg2: memref<10000x128xf32, #tpu.memory_space<hbm>>, %arg3: memref<320000xi32, #tpu.memory_space<hbm>>, %arg4: memref<320000x128xf32, #tpu.memory_space<hbm>>, %arg5: memref<128xi32, #tpu.memory_space<vmem>>, %arg6: memref<128x128xf32, #tpu.memory_space<vmem>>, %arg7: memref<!tpu.dma_semaphore, #tpu.memory_space<semaphore_mem>>) attributes {dimension_semantics = [#tpu.dimension_semantics<core_parallel>, #tpu.dimension_semantics<subcore_parallel>], iteration_bounds = array<i64: 2, 16>, scalar_prefetch = 0 : i64, scratch_operands = 3 : i64, tpu.core_type = #tpu.core_type<sc_vector_subcore>, window_params = [{transform_indices = #map}, {transform_indices = #map1}, {transform_indices = #map}]} {
    %mul3A = arith.constant 16 : i32
    %mul3A_0 = arith.muli %arg0, %mul3A : i32
    %add3A = arith.addi %mul3A_0, %arg1 : i32
    %scan3A = arith.constant 0 : i32
    %scan3A_1 = arith.constant 78 : i32
    %scan3A_2 = arith.addi %scan3A, %scan3A_1 : i32
    %scan3A_3 = arith.constant 1 : i32
    scf.for %scan3A_7 = %scan3A to %scan3A_2 step %scan3A_3  : i32 {
      %mul3A_8 = arith.constant 1 : i32
      %mul3A_9 = arith.muli %scan3A_7, %mul3A_8 : i32
      %add3A_10 = arith.constant 0 : i32
      %add3A_11 = arith.addi %add3A_10, %mul3A_9 : i32
      %mul3A_12 = arith.constant 32 : i32
      %mul3A_13 = arith.muli %add3A_11, %mul3A_12 : i32
      %add3A_14 = arith.addi %mul3A_13, %add3A : i32
      %mul3A_15 = arith.constant 128 : i32
      %mul3A_16 = arith.muli %add3A_14, %mul3A_15 : i32
      "tpu.region"() ({
        %run_scoped3A = tpu.sem_alloc : memref<!tpu.dma_semaphore, #tpu.memory_space<semaphore_mem>>
        %dma_start3A_21 = tpu.memref_slice %arg3[%mul3A_16] : memref<320000xi32, #tpu.memory_space<hbm>> -> memref<128xi32, #tpu.memory_space<hbm>>
        %dma_start3A_22 = tpu.memref_slice %arg3[%mul3A_16] : memref<320000xi32, #tpu.memory_space<hbm>> -> memref<128xi32, #tpu.memory_space<hbm>>
        tpu.enqueue_dma source(%dma_start3A_22 : memref<128xi32, #tpu.memory_space<hbm>>) target(%arg5 : memref<128xi32, #tpu.memory_space<vmem>>) target_semaphore(%run_scoped3A : memref<!tpu.dma_semaphore, #tpu.memory_space<semaphore_mem>>)
        %dma_wait3A_23 = tpu.memref_slice %arg3[%mul3A_16] : memref<320000xi32, #tpu.memory_space<hbm>> -> memref<128xi32, #tpu.memory_space<hbm>>
        %dma_wait3A_24 = tpu.memref_slice %arg3[%mul3A_16] : memref<320000xi32, #tpu.memory_space<hbm>> -> memref<128xi32, #tpu.memory_space<hbm>>
        tpu.wait_dma2 semaphore(%run_scoped3A : memref<!tpu.dma_semaphore, #tpu.memory_space<semaphore_mem>>) src(%dma_wait3A_24 : memref<128xi32, #tpu.memory_space<hbm>>) dst(%arg5 : memref<128xi32, #tpu.memory_space<vmem>>)
        tpu.yield
      }) : () -> ()
      %dma_start3A = arith.constant 0 : i32
      %dma_start3A_17 = arith.constant 0 : i32
      %dma_start3A_18 = tpu.memref_slice %arg2[%dma_start3A, %dma_start3A_17] : memref<10000x128xf32, #tpu.memory_space<hbm>> -> memref<10000x128xf32, #tpu.memory_space<hbm>>
      tpu.enqueue_indirect_dma source(%dma_start3A_18 : memref<10000x128xf32, #tpu.memory_space<hbm>>) target(%arg6 : memref<128x128xf32, #tpu.memory_space<vmem>>) offsets(%arg5 : memref<128xi32, #tpu.memory_space<vmem>>) semaphore(%arg7 : memref<!tpu.dma_semaphore, #tpu.memory_space<semaphore_mem>>)
      %dma_wait3A = arith.constant 0 : i32
      %dma_wait3A_19 = arith.constant 0 : i32
      %dma_wait3A_20 = tpu.memref_slice %arg2[%dma_wait3A, %dma_wait3A_19] : memref<10000x128xf32, #tpu.memory_space<hbm>> -> memref<10000x128xf32, #tpu.memory_space<hbm>>
      tpu.wait_indirect_dma semaphore(%arg7 : memref<!tpu.dma_semaphore, #tpu.memory_space<semaphore_mem>>) src(%dma_wait3A_20 : memref<10000x128xf32, #tpu.memory_space<hbm>>) dst(%arg6 : memref<128x128xf32, #tpu.memory_space<vmem>>)
      "tpu.region"() ({
        %run_scoped3A = tpu.sem_alloc : memref<!tpu.dma_semaphore, #tpu.memory_space<semaphore_mem>>
        %dma_start3A_21 = arith.constant 0 : i32
        %dma_start3A_22 = tpu.memref_slice %arg4[%mul3A_16, %dma_start3A_21] : memref<320000x128xf32, #tpu.memory_space<hbm>> -> memref<128x128xf32, #tpu.memory_space<hbm>>
        %dma_start3A_23 = arith.constant 0 : i32
        %dma_start3A_24 = tpu.memref_slice %arg4[%mul3A_16, %dma_start3A_23] : memref<320000x128xf32, #tpu.memory_space<hbm>> -> memref<128x128xf32, #tpu.memory_space<hbm>>
        tpu.enqueue_dma source(%arg6 : memref<128x128xf32, #tpu.memory_space<vmem>>) target(%dma_start3A_24 : memref<128x128xf32, #tpu.memory_space<hbm>>) target_semaphore(%run_scoped3A : memref<!tpu.dma_semaphore, #tpu.memory_space<semaphore_mem>>)
        %dma_wait3A_25 = arith.constant 0 : i32
        %dma_wait3A_26 = tpu.memref_slice %arg4[%mul3A_16, %dma_wait3A_25] : memref<320000x128xf32, #tpu.memory_space<hbm>> -> memref<128x128xf32, #tpu.memory_space<hbm>>
        %dma_wait3A_27 = arith.constant 0 : i32
        %dma_wait3A_28 = tpu.memref_slice %arg4[%mul3A_16, %dma_wait3A_27] : memref<320000x128xf32, #tpu.memory_space<hbm>> -> memref<128x128xf32, #tpu.memory_space<hbm>>
        tpu.wait_dma2 semaphore(%run_scoped3A : memref<!tpu.dma_semaphore, #tpu.memory_space<semaphore_mem>>) src(%arg6 : memref<128x128xf32, #tpu.memory_space<vmem>>) dst(%dma_wait3A_28 : memref<128x128xf32, #tpu.memory_space<hbm>>)
        tpu.yield
      }) : () -> ()
    }
    %scan3A_4 = arith.constant 78 : i32
    %lt3A = arith.constant 4 : i32
    %lt3A_5 = arith.cmpi slt, %add3A, %lt3A : i32
    %convert_element_type3A = arith.extui %lt3A_5 : i1 to i32
    %cond3A = arith.constant 0 : i32
    %cond3A_6 = arith.cmpi ne, %convert_element_type3A, %cond3A : i32
    scf.if %cond3A_6 {
      %add3A_7 = arith.constant 2496 : i32
      %add3A_8 = arith.addi %add3A_7, %add3A : i32
      %mul3A_9 = arith.constant 128 : i32
      %mul3A_10 = arith.muli %add3A_8, %mul3A_9 : i32
      "tpu.region"() ({
        %run_scoped3A = tpu.sem_alloc : memref<!tpu.dma_semaphore, #tpu.memory_space<semaphore_mem>>
        %dma_start3A_15 = tpu.memref_slice %arg3[%mul3A_10] : memref<320000xi32, #tpu.memory_space<hbm>> -> memref<128xi32, #tpu.memory_space<hbm>>
        %dma_start3A_16 = tpu.memref_slice %arg3[%mul3A_10] : memref<320000xi32, #tpu.memory_space<hbm>> -> memref<128xi32, #tpu.memory_space<hbm>>
        tpu.enqueue_dma source(%dma_start3A_16 : memref<128xi32, #tpu.memory_space<hbm>>) target(%arg5 : memref<128xi32, #tpu.memory_space<vmem>>) target_semaphore(%run_scoped3A : memref<!tpu.dma_semaphore, #tpu.memory_space<semaphore_mem>>)
        %dma_wait3A_17 = tpu.memref_slice %arg3[%mul3A_10] : memref<320000xi32, #tpu.memory_space<hbm>> -> memref<128xi32, #tpu.memory_space<hbm>>
        %dma_wait3A_18 = tpu.memref_slice %arg3[%mul3A_10] : memref<320000xi32, #tpu.memory_space<hbm>> -> memref<128xi32, #tpu.memory_space<hbm>>
        tpu.wait_dma2 semaphore(%run_scoped3A : memref<!tpu.dma_semaphore, #tpu.memory_space<semaphore_mem>>) src(%dma_wait3A_18 : memref<128xi32, #tpu.memory_space<hbm>>) dst(%arg5 : memref<128xi32, #tpu.memory_space<vmem>>)
        tpu.yield
      }) : () -> ()
      %dma_start3A = arith.constant 0 : i32
      %dma_start3A_11 = arith.constant 0 : i32
      %dma_start3A_12 = tpu.memref_slice %arg2[%dma_start3A, %dma_start3A_11] : memref<10000x128xf32, #tpu.memory_space<hbm>> -> memref<10000x128xf32, #tpu.memory_space<hbm>>
      tpu.enqueue_indirect_dma source(%dma_start3A_12 : memref<10000x128xf32, #tpu.memory_space<hbm>>) target(%arg6 : memref<128x128xf32, #tpu.memory_space<vmem>>) offsets(%arg5 : memref<128xi32, #tpu.memory_space<vmem>>) semaphore(%arg7 : memref<!tpu.dma_semaphore, #tpu.memory_space<semaphore_mem>>)
      %dma_wait3A = arith.constant 0 : i32
      %dma_wait3A_13 = arith.constant 0 : i32
      %dma_wait3A_14 = tpu.memref_slice %arg2[%dma_wait3A, %dma_wait3A_13] : memref<10000x128xf32, #tpu.memory_space<hbm>> -> memref<10000x128xf32, #tpu.memory_space<hbm>>
      tpu.wait_indirect_dma semaphore(%arg7 : memref<!tpu.dma_semaphore, #tpu.memory_space<semaphore_mem>>) src(%dma_wait3A_14 : memref<10000x128xf32, #tpu.memory_space<hbm>>) dst(%arg6 : memref<128x128xf32, #tpu.memory_space<vmem>>)
      "tpu.region"() ({
        %run_scoped3A = tpu.sem_alloc : memref<!tpu.dma_semaphore, #tpu.memory_space<semaphore_mem>>
        %dma_start3A_15 = arith.constant 0 : i32
        %dma_start3A_16 = tpu.memref_slice %arg4[%mul3A_10, %dma_start3A_15] : memref<320000x128xf32, #tpu.memory_space<hbm>> -> memref<128x128xf32, #tpu.memory_space<hbm>>
        %dma_start3A_17 = arith.constant 0 : i32
        %dma_start3A_18 = tpu.memref_slice %arg4[%mul3A_10, %dma_start3A_17] : memref<320000x128xf32, #tpu.memory_space<hbm>> -> memref<128x128xf32, #tpu.memory_space<hbm>>
        tpu.enqueue_dma source(%arg6 : memref<128x128xf32, #tpu.memory_space<vmem>>) target(%dma_start3A_18 : memref<128x128xf32, #tpu.memory_space<hbm>>) target_semaphore(%run_scoped3A : memref<!tpu.dma_semaphore, #tpu.memory_space<semaphore_mem>>)
        %dma_wait3A_19 = arith.constant 0 : i32
        %dma_wait3A_20 = tpu.memref_slice %arg4[%mul3A_10, %dma_wait3A_19] : memref<320000x128xf32, #tpu.memory_space<hbm>> -> memref<128x128xf32, #tpu.memory_space<hbm>>
        %dma_wait3A_21 = arith.constant 0 : i32
        %dma_wait3A_22 = tpu.memref_slice %arg4[%mul3A_10, %dma_wait3A_21] : memref<320000x128xf32, #tpu.memory_space<hbm>> -> memref<128x128xf32, #tpu.memory_space<hbm>>
        tpu.wait_dma2 semaphore(%run_scoped3A : memref<!tpu.dma_semaphore, #tpu.memory_space<semaphore_mem>>) src(%arg6 : memref<128x128xf32, #tpu.memory_space<vmem>>) dst(%dma_wait3A_22 : memref<128x128xf32, #tpu.memory_space<hbm>>)
        tpu.yield
      }) : () -> ()
    } else {
    }
    return
  }
}

</mosaic_0001>

<sc_bundles>
// kernel: _sc_gather.3.cloned.1.call-start
scs
__scs_entry_jumppad:
0x0: {  	(pc) =	sbr.rel $0x88, $3  }
0x1: {  	(tag) =	ssettag $0x0;
	lr =	simm.s32 $0x1  }
0x2: {  	[smem:$0x3F9F] =	sst lr;
	_ =	strace $0xD0000000  }
0x3: {  	_ = 	snop  }
0x4: {  	_ = 	snop  }
0x5: {  	_ = 	snop  }
0x6: {  	_ = 	snop  }
0x7: {  	_ = 	snop  }
__scs_overlays_trampoline_lowered:
0x8: {  	[smem:$0x3FAE] =	sst s0  }
0x9: {  	[smem:$0x3FAF] =	sst s1  }
0xa: {  	[smem:$0x3FB0] =	sst s2  }
0xb: {  	[smem:$0x3FB1] =	sst s3  }
0xc: {  	[smem:$0x3FB2] =	sst s4  }
0xd: {  	[smem:$0x3FB3] =	sst s5  }
0xe: {  	[smem:$0x3FB4] =	sst s6  }
0xf: {  	[smem:$0x3FB5] =	sst s7  }
0x10: {  	[smem:$0x3FB6] =	sst s8  }
0x11: {  	[smem:$0x3FB7] =	sst s9;
	s0 =	simm.s32 @!p0 $0x0  }
0x12: {  	s1 =	sld [smem:$0x3F9D];
	s0 =	simm.s32 @p0 $0x1  }
0x13: {  	[smem:$0x3FB8] =	sst s0;
	s0 =	simm.s32 @!p1 $0x0  }
0x14: {  	s2 =	sld [smem:$0x3F9C];
	s0 =	simm.s32 @p1 $0x1  }
0x15: {  	[smem:$0x3FB9] =	sst s0;
	s0 =	simm.s32 @!p2 $0x0  }
0x16: {  	s3 =	sld [smem:$0x3FDB];
	s0 =	simm.s32 @p2 $0x1  }
0x17: {  	s4 =	simm.s32 $0x1BF5;
	[smem:$0x3FBB] =	sst s0  }
0x18: {  	s0 =	sld [smem:$0x3F9E];
	_ =	swait.ge [sflag:s4], $0x0  }
0x19: {  	s7 =	sld [smem:$0x3F9F]  }
0x1a: {  	s8 =	sadd.s32 $0xFFFFE003, lr  }
0x1b: {  	s9 =	sadd.s32 $0xFFFFFEF7, lr;
	s5 =	simm.s32 $0xFFFFFFFF;
	p2 =	slt.u32 s8, $0xFFFFF086  }
0x1c: {  	p1 =	slt.u32 s9, $0xF7A;
	s5 =	simm.s32 @!p2 $0x0  }
0x1d: {  	s5 =	simm.s32 @p1 $0x1;
	p0 =	seq.s32 s7, s2  }
0x1e: {  	s7 =	smul.u32 @!p0 $0xF7A, s2;
	p2 =	seq.s32 @!p0 s5, $0x0  }
0x1f: {  	s9 =	smul.u32 $0xF7A, s1;
	s8 =	simm.s32 @!p0 $0x1BF5;
	p2 =	por !p2, p0  }
0x20: {  	[sflag:s8] =	ssyncset.s32 @!p0 $0xFFFFF086;
	s6 =	sadd.s32 @!p0 s3, s7;
	s7 =	simm.s32 @!p0 $0x108  }
0x21: {  	s3 =	sadd.s32 s3, s9;
	s6 =	sadd.s32 @!p0 $0x88, s6;
	s7 =	simm.s32 @p2 $0x1082  }
0x22: {  	[simem:s7], [sflag:s8] =	dma.local @!p0 [hbm:s6], $0xF7A  }
0x23: {  	s9 =	sor.u32 $0xD0000000, s2;
	s6 =	simm.s32 $0x108;
	_ =	swait.ge @!p0 [sflag:s8], $0x0  }
0x24: {  	s3 =	sadd.s32 $0x88, s3;
	s6 =	simm.s32 @!p1 $0x1082;
	[sflag:s4] =	ssyncset.s32 $0xFFFFF086  }
0x25: {  	[simem:s6], [sflag:s4] =	dma.local [hbm:s3], $0xF7A  }
0x26: {  	[smem:$0x3F9F] =	sst s1;
	(tag) =	ssettag s2;
	_ =	strace s9  }
0x27: {  	s1 =	sld [smem:$0x3FAF]  }
0x28: {  	s2 =	sld [smem:$0x3FB0]  }
0x29: {  	s4 =	sld [smem:$0x3FB2]  }
0x2a: {  	p0 =	seq.s32 s5, $0x0;
	s5 =	sld [smem:$0x3FB3]  }
0x2b: {  	s6 =	sld [smem:$0x3FB4]  }
0x2c: {  	s7 =	sld [smem:$0x3FB5]  }
0x2d: {  	s3 =	simm.s32 $0x108;
	s8 =	sld [smem:$0x3FB6]  }
0x2e: {  	s3 =	simm.s32 @!p0 $0x1082;
	s9 =	sld [smem:$0x3FB7]  }
0x2f: {  	lr =	sadd.s32 s0, s3;
	s0 =	sld [smem:$0x3FAE]  }
0x30: {  	s3 =	sld [smem:$0x3FB1]  }
0x31: {  	[smem:$0x3FBA] =	sst s10  }
0x32: {  	s10 =	sld [smem:$0x3FB8];
	_ =	sdelay $0x3  }
0x33: {  	p0 =	seq.s32 s10, $0x1;
	s10 =	sld [smem:$0x3FBA];
	_ =	sdelay $0x3  }
0x34: {  	[smem:$0x3FBA] =	sst s10  }
0x35: {  	s10 =	sld [smem:$0x3FB9];
	_ =	sdelay $0x3  }
0x36: {  	p1 =	seq.s32 s10, $0x1;
	s10 =	sld [smem:$0x3FBA];
	_ =	sdelay $0x3  }
0x37: {  	[smem:$0x3FBA] =	sst s10  }
0x38: {  	s10 =	sld [smem:$0x3FBB]  }
0x39: {  	_ = 	snop;
	(pc) =	sbr.ind lr, $3  }
0x3a: {  	_ = 	snop  }
0x3b: {  	_ = 	snop  }
0x3c: {  	p2 =	seq.s32 s10, $0x1;
	s10 =	sld [smem:$0x3FBA]  }
0x3d: {  	_ =	shalt  }
0x3e: {  	_ =	shalt  }
0x3f: {  	_ =	shalt  }
0x40: {  	_ =	shalt  }
0x41: {  	_ =	shalt  }
0x42: {  	_ =	shalt  }
0x43: {  	_ =	shalt  }
0x44: {  	_ =	shalt  }
0x45: {  	_ =	shalt  }
0x46: {  	_ =	shalt  }
0x47: {  	_ =	shalt  }
0x48: {  	_ =	shalt  }
0x49: {  	_ =	shalt  }
0x4a: {  	_ =	shalt  }
0x4b: {  	_ =	shalt  }
0x4c: {  	_ =	shalt  }
0x4d: {  	_ =	shalt  }
0x4e: {  	_ =	shalt  }
0x4f: {  	_ =	shalt  }
0x50: {  	_ =	shalt  }
0x51: {  	_ =	shalt  }
0x52: {  	_ =	shalt  }
0x53: {  	_ =	shalt  }
0x54: {  	_ =	shalt  }
0x55: {  	_ =	shalt  }
0x56: {  	_ =	shalt  }
0x57: {  	_ =	shalt  }
0x58: {  	_ =	shalt  }
0x59: {  	_ =	shalt  }
0x5a: {  	_ =	shalt  }
0x5b: {  	_ =	shalt  }
0x5c: {  	_ =	shalt  }
0x5d: {  	_ =	shalt  }
0x5e: {  	_ =	shalt  }
0x5f: {  	_ =	shalt  }
0x60: {  	_ =	shalt  }
0x61: {  	_ =	shalt  }
0x62: {  	_ =	shalt  }
0x63: {  	_ =	shalt  }
0x64: {  	_ =	shalt  }
0x65: {  	_ =	shalt  }
0x66: {  	_ =	shalt  }
0x67: {  	_ =	shalt  }
0x68: {  	_ =	shalt  }
0x69: {  	_ =	shalt  }
0x6a: {  	_ =	shalt  }
0x6b: {  	_ =	shalt  }
0x6c: {  	_ =	shalt  }
0x6d: {  	_ =	shalt  }
0x6e: {  	_ =	shalt  }
0x6f: {  	_ =	shalt  }
0x70: {  	_ =	shalt  }
0x71: {  	_ =	shalt  }
0x72: {  	_ =	shalt  }
0x73: {  	_ =	shalt  }
0x74: {  	_ =	shalt  }
0x75: {  	_ =	shalt  }
0x76: {  	_ =	shalt  }
0x77: {  	_ =	shalt  }
0x78: {  	_ =	shalt  }
0x79: {  	_ =	shalt  }
0x7a: {  	_ =	shalt  }
0x7b: {  	_ =	shalt  }
0x7c: {  	_ =	shalt  }
0x7d: {  	_ =	shalt  }
0x7e: {  	_ =	shalt  }
0x7f: {  	_ =	shalt  }
0x80: {  	_ =	shalt  }
0x81: {  	_ =	shalt  }
0x82: {  	_ =	shalt  }
0x83: {  	_ =	shalt  }
0x84: {  	_ =	shalt  }
0x85: {  	_ =	shalt  }
0x86: {  	_ =	shalt  }
0x87: {  	_ =	shalt  }
.Lfunc_end0:
.L_simem_size_0:
called_computation_lowered:
.L_overlay_start_0:
0x88: {  	s2 =	sld [smem:$0x3FD9]  }
0x89: {  	s3 =	sld [smem:$0x3FFE];
	_ =	sdelay $0x1  }
0x8a: {  	s1 =	srdreg.scid  }
0x8b: {  	s0 =	sand.u32 $0x1, s1  }
0x8c: {  	s18 =	sshll.u32 s0, $0xA;
	s2 =	sadd.s32 s3, s2  }
0x8d: {  	s2 =	sadd.s32 s2, s18  }
0x8e: {  	[smem:$0x3FC6] =	sst s2  }
0x8f: {  	_ = 	snop  }
0x90: {  	s2 =	sld [smem:$0x3FC9]  }
0x91: {  	s19 =	sld [smem:$0x3FC8]  }
0x92: {  	s4 =	sld [smem:$0x3FD0];
	(tm) =	ssettm $0x1  }
0x93: {  	s5 =	sld [smem:$0x3FFB];
	_ =	sdelay $0x3  }
0x94: {  	_ =	strace s5  }
0x95: {  	s5 =	sld [smem:$0x3FFC];
	_ =	sdelay $0x3  }
0x96: {  	_ =	strace s5  }
0x97: {  	s5 =	sld [smem:$0x3FFD];
	_ =	sdelay $0x3  }
0x98: {  	_ =	strace s5  }
0x99: {  	_ =	strace $0x8FFFFFFF  }
0x9a: {  	s20 =	sld [smem:$0x3FDB];
	_ =	sdelay $0x1  }
0x9b: {  	s6 =	simm.s32 $_scs_section_size  }
0x9c: {  	s7 =	simm.s32 $_size__tile_overlayer_lowered;
	s8 =	simm.s32 $_tile_overlayer_lowered  }
0x9d: {  	s23 =	simm.s32 $0x1BFF;
	s22 =	sshll.u32 s8, $0x1;
	s5 =	sadd.s32 s6, s20  }
0x9e: {  	s9 =	simm.s32 $0x0;
	s21 =	sshll.u32 s7, $0x1;
	s7 =	sadd.s32 s22, s5  }
0x9f: {  	[timem:s9], [sflag:s23] =	dma.local [hbm:s7], s21  }
0xa0: {  	_ =	swait.ge [sflag:s23], s21  }
0xa1: {  	s6 =	ssub.s32 $0x0, s21;
	[sflag:s23] =	ssyncset.done $0x0  }
0xa2: {  	[sflag:s23] =	ssyncadd.s32 s6;
	_ =	sdelay $0x1  }
0xa3: {  	s24 =	simm.s32 $0x1B8B  }
0xa4: {  	_ =	swait.ge [sflag:s24], $0x1  }
0xa5: {  	[sflag:s24] =	ssyncset.done $0x0  }
0xa6: {  	s25 =	simm.s32 $0x1B8E;
	[sflag:s24] =	ssyncadd.s32 $0xFFFFFFFF  }
0xa7: {  	s26 =	simm.s32 $execute0_lowered;
	[smem:$0x3FD2] =	sst s25  }
0xa8: {  	s6 =	sshll.u32 s26, $0x1;
	_ =	strace $0x80000046;
	[dreg:$0x1] =	wrdreg $0xFFFFFFFF  }
0xa9: {  	s28 =	simm.s32 $_size_execute0_lowered;
	s5 =	sadd.s32 s5, s6;
	[dreg:$0x0] =	wrdreg $0x0  }
0xaa: {  	s6 =	sshll.u32 s28, $0x1;
	[dreg:$0x2] =	wrdreg s5  }
0xab: {  	[dreg:$0x3] =	wrdreg s6  }
0xac: {  	[dreg:$0x4] =	wrdreg $0xC0  }
0xad: {  	_ =	task [dreg:s9], $0x5FFFF  }
0xae: {  	[dreg:$0x1] =	wrdreg $0xFFFFFFFF  }
0xaf: {  	[dreg:$0x0] =	wrdreg $0x60  }
0xb0: {  	[dreg:$0x2] =	wrdreg s2  }
0xb1: {  	[dreg:$0x3] =	wrdreg s19  }
0xb2: {  	[dreg:$0x4] =	wrdreg s4  }
0xb3: {  	[dreg:$0x5] =	wrdreg $0x9  }
0xb4: {  	_ =	task.clear_ibuf [dreg:s9], $0x6FFFF;
	_ =	strace $0x90000046  }
0xb5: {  	s29 =	simm.s32 $0x9;
	_ =	strace $0x80000048  }
0xb6: {  	_ =	swait.ge [sflag:s29], $0x1  }
0xb7: {  	[sflag:s29] =	ssyncadd.s32 $0xFFFFFFFF  }
0xb8: {  	_ =	strace $0x90000048  }
0xb9: {  	_ =	sfence  }
0xba: {  	s30 =	sld [smem:$0x0];
	_ =	sdelay $0x2  }
0xbb: {  	s31 =	sshll.u32 s1, $0xD;
	s1 =	sshrl.u32 s1, $0x2  }
0xbc: {  	s3 =	sand.u32 $0x4000, s31;
	s1 =	sadd.s32 s1, s30  }
0xbd: {  	s0 =	sor.u32 s3, s0;
	s1 =	sshll.u32 s1, $0x11  }
0xbe: {  	s0 =	sor.u32 s1, s0  }
0xbf: {  	s0 =	sadd.s32 $0x8F2B, s0  }
0xc0: {  	[sflag:s0] =	ssyncadd.remote.s32 $0x1  }
0xc1: {  	_ =	sfence.sel $0xFFFF  }
0xc2: {  	[dreg:$0x0] =	wrdreg $0xFFFFFFFF;
	(pc) =	sbr.abs _section_cstart, $3  }
0xc3: {  	[dreg:$0x1] =	wrdreg $0xFFFFFFFF  }
0xc4: {  	_ =	task.clear_ibuf [dreg:s9], $0x2FFFF;
	_ =	strace $0x9FFFFFFF  }
0xc5: {  	(tm) =	ssettm $0x7FFFFFFF  }
tec
execute0_lowered:
.L_overlay_start_1:
0x0: {  	(tag) =	ssettag $0x1  }
0x1: {  	s1 =	rddreg [dreg:$0x0]  }
0x2: {  	s8 =	rddreg [dreg:$0x1]  }
0x3: {  	s6 =	rddreg [dreg:$0x2]  }
0x4: {  	s0 =	rddreg [dreg:$0x3];
	s4 =	srdreg.scid  }
0x5: {  	s3 =	simm.s32 $0x0;
	s2 =	stileid.u32;
	s7 =	sand.u32 $0x1, s4  }
0x6: {  	[smem:$0x7FF] =	sst s3;
	s9 =	sshll.u32 s2, $0x7;
	s13 =	sshll.u32 s2, $0xB  }
0x7: {  	s4 =	ssub.s32 $0x2, s7;
	_ =	strace $0x80000047;
	s10 =	sor.u32 $0x4E000, s9  }
0x8: {  	s28 =	sshll.u32 s7, $0x4;
	s31 =	sshll.u32 s7, $0xF;
	s7 =	sshll.u32 s7, $0xB  }
0x9: {  	s5 =	sshrl.u32 s4, $0x1;
	s29 =	sshrl.u32 s10, $0x3;
	s12 =	sor.u32 s2, s28  }
0xa: {  	s30 =	sshll.u32 s10, $0x4;
	s10 =	sadd.s32 s31, s6;
	s9 =	sor.u32 s9, s7  }
0xb: {  	s11 =	ssub.s32 s4, s5;
	s4 =	sadd.s32 s8, s29;
	s5 =	sadd.s32 s6, s30  }
0xc: {  	s7 =	sadd.s32 s13, s10;
	s9 =	sshrl.u32 s9, $0x3;
	s10 =	simm.s32 $0x80  }
0xd: {  	p0 =	sgt.u32 s12, $0x3;
	s12 =	simm.s32 $0x0;
	s6 =	smax.u32 s11, $0x1  }
0xe: {  	s8 =	sadd.s32 s9, s8;
	s9 =	simm.s32 $0x2;
	s11 =	simm.s32 $0x1  }
.LBB2_1:
0xf: {  	s13 =	sadd.s32 $0x0, s8  }
0x10: {  	[tilespmem:s3], [sflag:$0x2] =	stream.linear.gather [hbm4b:s13+s3], $0x80, $0x38;
	[tilespmem:$0x4080] =	vst v63  }
0x11: {  	_ =	swait.ge [sflag:s9], $0x80  }
0x12: {  	[sflag:s9] =	ssyncset.done $0x0  }
0x13: {  	[sflag:s9] =	ssyncadd.s32 $0xFFFFFF80  }
0x14: {  	[tilespmem:s10], [sflag:$0x1] =	stream.indirect.gather [hbm4b:s1+s10], $0x80, s3, s10, $0xb8;
	[tilespmem:$0x4080] =	vst v63  }
0x15: {  	_ =	swait.ge [sflag:s11], $0x4000  }
0x16: {  	[sflag:s11] =	ssyncset.done $0x0  }
0x17: {  	[sflag:s11] =	ssyncadd.s32 $0xFFFFC000  }
0x18: {  	[hbm4b:s7+s3] =	stream.linear.scatter [tilespmem:s10], [sflag:$0x2], $0x4000, $0x38;
	[tilespmem:$0x4080] =	vst v63  }
0x19: {  	s14 =	simm.s32 $0x200;
	_ =	swait.ge [sflag:s9], $0x4000  }
0x1a: {  	s15 =	simm.s32 $0x400;
	s13 =	sadd.s32 $0x10000, s7;
	[sflag:s9] =	ssyncset.done $0x0  }
.LBB2_2:
0x1b: {  	s16 =	sadd.s32 s14, s8  }
0x1c: {  	[sflag:s9] =	ssyncadd.s32 $0xFFFFC000;
	s14 =	smov.u32 s15;
	s17 =	sadd.s32 $0x200, s15  }
0x1d: {  	[tilespmem:s3], [sflag:$0x2] =	stream.linear.gather [hbm4b:s16+s3], $0x80, $0x38;
	[tilespmem:$0x4080] =	vst v63  }
0x1e: {  	p1 =	sne.s32 s15, $0x9A00;
	_ =	swait.ge [sflag:s9], $0x80  }
0x1f: {  	[sflag:s9] =	ssyncset.done $0x0  }
0x20: {  	[sflag:s9] =	ssyncadd.s32 $0xFFFFFF80  }
0x21: {  	[tilespmem:s10], [sflag:$0x1] =	stream.indirect.gather [hbm4b:s1+s10], $0x80, s3, s10, $0xb8;
	[tilespmem:$0x4080] =	vst v63  }
0x22: {  	_ =	swait.ge [sflag:s11], $0x4000  }
.Ltmp0:
0x23: {  	[sflag:s11] =	ssyncset.done $0x0;
	(pc) =	sbr.rel @p1 .LBB2_2-.Ltmp0, $4  }
0x24: {  	[sflag:s11] =	ssyncadd.s32 $0xFFFFC000  }
0x25: {  	[hbm4b:s13+s3] =	stream.linear.scatter [tilespmem:s10], [sflag:$0x2], $0x4000, $0x38;
	[tilespmem:$0x4080] =	vst v63  }
0x26: {  	_ =	swait.ge [sflag:s9], $0x4000  }
0x27: {  	s15 =	smov.u32 s17;
	s13 =	sadd.s32 $0x10000, s13;
	[sflag:s9] =	ssyncset.done $0x0  }
0x28: {  	s14 =	sadd.s32 s14, s8;
	[sflag:s9] =	ssyncadd.s32 $0xFFFFC000  }
0x29: {  	[tilespmem:s3], [sflag:$0x2] =	stream.linear.gather [hbm4b:s14+s3], $0x80, $0x38;
	[tilespmem:$0x4080] =	vst v63  }
0x2a: {  	_ =	swait.ge [sflag:s9], $0x80  }
0x2b: {  	[sflag:s9] =	ssyncset.done $0x0  }
0x2c: {  	[sflag:s9] =	ssyncadd.s32 $0xFFFFFF80  }
0x2d: {  	[tilespmem:s10], [sflag:$0x1] =	stream.indirect.gather [hbm4b:s1+s10], $0x80, s3, s10, $0xb8;
	[tilespmem:$0x4080] =	vst v63  }
0x2e: {  	_ =	swait.ge [sflag:s11], $0x4000  }
0x2f: {  	[sflag:s11] =	ssyncset.done $0x0  }
0x30: {  	[sflag:s11] =	ssyncadd.s32 $0xFFFFC000  }
0x31: {  	[hbm4b:s13+s3] =	stream.linear.scatter [tilespmem:s10], [sflag:$0x2], $0x4000, $0x38;
	[tilespmem:$0x4080] =	vst v63  }
0x32: {  	_ =	swait.ge [sflag:s9], $0x4000  }
0x33: {  	[sflag:s9] =	ssyncset.done $0x0  }
0x34: {  	s14 =	simm.s32 @!p0 $0x2;
	s13 =	simm.s32 @!p0 $0x0;
	[sflag:s9] =	ssyncadd.s32 $0xFFFFC000  }
0x35: {  	[tilespmem:s13], [sflag:$0x2] =	stream.linear.gather @!p0 [hbm4b:s4+s13], $0x80, $0x38;
	[tilespmem:$0x4080] =	vst v63  }
0x36: {  	_ =	swait.ge @!p0 [sflag:s14], $0x80  }
0x37: {  	[sflag:s14] =	ssyncset.done @!p0 $0x0  }
0x38: {  	s15 =	simm.s32 @!p0 $0x80;
	s16 =	simm.s32 @!p0 $0x1;
	[sflag:s14] =	ssyncadd.s32 @!p0 $0xFFFFFF80  }
0x39: {  	[tilespmem:s15], [sflag:$0x1] =	stream.indirect.gather @!p0 [hbm4b:s1+s15], $0x80, s13, s15, $0xb8;
	[tilespmem:$0x4080] =	vst v63  }
0x3a: {  	s12 =	sadd.s32 $0x1, s12;
	_ =	swait.ge @!p0 [sflag:s16], $0x4000  }
0x3b: {  	p1 =	sne.s32 s12, s6;
	[sflag:s16] =	ssyncset.done @!p0 $0x0  }
.Ltmp1:
0x3c: {  	[sflag:s16] =	ssyncadd.s32 @!p0 $0xFFFFC000;
	(pc) =	sbr.rel @p1 .LBB2_1-.Ltmp1, $4  }
0x3d: {  	[hbm4b:s5+s13] =	stream.linear.scatter @!p0 [tilespmem:s15], [sflag:$0x2], $0x4000, $0x38;
	[tilespmem:$0x4080] =	vst v63  }
0x3e: {  	_ =	swait.ge @!p0 [sflag:s14], $0x4000  }
0x3f: {  	[sflag:s14] =	ssyncset.done @!p0 $0x0  }
0x40: {  	[sflag:s14] =	ssyncadd.s32 @!p0 $0xFFFFC000  }
0x41: {  	_ =	sfence.sel $0x180000  }
0x42: {  	[bflag:$0x0] =	sbarrier.arrive $0xFFFF  }
0x43: {  	p0 =	sne.s32 s2, $0x0;
	_ =	strace $0x90000047  }
0x44: {  	s0 =	sadd.s32 @!p0 $0x100000, s0;
	[bflag:$0x2] =	sbarrier.arrive $0xFFFF  }
0x45: {  	[sflag:s0] =	ssyncadd.tile.s32 @!p0 $0x1;
	_ =	shalt  }
.Lfunc_end2:
_tile_overlayer_lowered:
.L_overlay_start_2:
0x46: {  	(tag) =	ssettag $0x2  }
0x47: {  	s0 =	rddreg [dreg:$0x0];
	s2 =	stileid.u32  }
0x48: {  	s1 =	rddreg [dreg:$0x1];
	p0 =	sne.s32 s2, $0x0  }
0x49: {  	s3 =	rddreg [dreg:$0x2];
	[bflag:$0x3] =	sbarrier.arrive $0xFFFF;
	s2 =	simm.s32 @!p0 $0x1C02  }
0x4a: {  	[timem:s3], [sflag:s2] =	dma.local @!p0 [hbm:s0], s1  }
0x4b: {  	s0 =	simm.s32 @!p0 $0x2  }
0x4c: {  	_ =	swait.ge @!p0 [sflag:s0], s1  }
0x4d: {  	s1 =	ssub.s32 @!p0 $0x0, s1;
	[sflag:s0] =	ssyncset.done @!p0 $0x0  }
0x4e: {  	[sflag:s0] =	ssyncadd.s32 @!p0 s1  }
0x4f: {  	[bflag:$0x3] =	sbarrier.arrive $0xFFFF  }
0x50: {  	_ =	shalt  }

</sc_bundles>
